<compile_context>
chip_gen: v7x
topology: tpu7x:2x2x1
jax: 0.10.2.dev20260603
libtpu: 0.0.44.dev20260713+nightly
codegen_flags: <defaults>
</compile_context>

<pallas_src>
import functools

import jax
import jax.numpy as jnp
from jax import lax
from jax.experimental import pallas as pl
from jax.experimental.pallas import tpu as pltpu
from jax.experimental.pallas import tpu_sc as plsc

N_PRE = 100000
N_POST = 100000
N_SYN = 6400000
N_BASIS = 5

NC = 2
NS = 16
NW = NC * NS

PER_W = N_SYN // NW
C = 2000
NCHUNK = PER_W // C
VPC = C // 16

NWORDS = 3200

STRIPE = 6256
LAST_START = N_POST - STRIPE


def _pack_body(z_ref, o_ref):
    shifts = lax.broadcasted_iota(jnp.int32, (NWORDS, 32), 1)
    bits = jnp.where(z_ref[:] > 0.0, lax.shift_left(jnp.int32(1), shifts), 0)
    o_ref[:] = jnp.sum(bits, axis=1)


def _sc_body(zbits_hbm, post_hbm, pre_hbm, w_hbm, basis_hbm, sid_hbm,
             zeros_hbm, out_hbm, acc, zbits_v, basis_v, post_v, pre_v, w_v,
             sid_v, vals_v):
    c = lax.axis_index("c")
    s = lax.axis_index("s")
    wid = s * NC + c
    r0 = pl.multiple_of(jnp.where(s == NS - 1, LAST_START, s * STRIPE), 8)

    pltpu.sync_copy(zeros_hbm.at[pl.ds(r0, STRIPE)],
                    acc.at[pl.ds(r0, STRIPE)])
    pltpu.sync_copy(zbits_hbm, zbits_v)
    pltpu.sync_copy(basis_hbm, basis_v)
    plsc.subcore_barrier()

    iota = lax.broadcasted_iota(jnp.int32, (16,), 0)

    def chunk(g, carry):
        base = wid * PER_W + g * C
        pltpu.sync_copy(post_hbm.at[pl.ds(base, C)], post_v)
        pltpu.sync_copy(pre_hbm.at[pl.ds(base, C)], pre_v)
        pltpu.sync_copy(w_hbm.at[pl.ds(base, C)], w_v)
        pltpu.sync_copy(sid_hbm.at[pl.ds(base, C)], sid_v)

        def vreg(v, carry2):
            l = v * 16
            pre = pre_v[pl.ds(l, 16)]
            zw = plsc.load_gather(zbits_v, [lax.shift_right_logical(pre, 5)])
            bit = lax.shift_right_logical(zw, pre & 31) & 1
            zf = bit.astype(jnp.float32)
            wv = w_v[pl.ds(l, 16)]
            wz = wv * zf
            sv = sid_v[pl.ds(l, 16)]
            sb = sv * N_BASIS
            rows = iota + l
            for r in range(N_BASIS):
                br = plsc.load_gather(basis_v, [sb + r])
                val = wz * br
                plsc.store_scatter(
                    vals_v, [rows, jnp.full((16,), r, jnp.int32)], val)
            return carry2

        lax.fori_loop(0, VPC, vreg, 0)
        pltpu.sync_copy(vals_v, acc.at[post_v], add=True)
        return carry

    lax.fori_loop(0, NCHUNK, chunk, 0)
    plsc.subcore_barrier()
    pltpu.sync_copy(acc.at[pl.ds(r0, STRIPE)],
                    out_hbm.at[c, pl.ds(r0, STRIPE)])


@functools.partial(
    pl.kernel,
    out_type=jax.ShapeDtypeStruct((NC, N_POST, N_BASIS), jnp.float32),
    mesh=plsc.VectorSubcoreMesh(core_axis_name="c", subcore_axis_name="s",
                                num_cores=NC, num_subcores=NS),
    compiler_params=pltpu.CompilerParams(needs_layout_passes=False,
                                         use_tc_tiling_on_sc=False),
    scratch_types=[
        pltpu.VMEM_SHARED((N_POST, N_BASIS), jnp.float32),
        pltpu.VMEM((NWORDS,), jnp.int32),
        pltpu.VMEM((512 * N_BASIS,), jnp.float32),
        pltpu.VMEM((C,), jnp.int32),
        pltpu.VMEM((C,), jnp.int32),
        pltpu.VMEM((C,), jnp.float32),
        pltpu.VMEM((C,), jnp.int32),
        pltpu.VMEM((C, N_BASIS), jnp.float32),
    ],
)
def _sc_kernel(zbits_hbm, post_hbm, pre_hbm, w_hbm, basis_hbm, sid_hbm,
               zeros_hbm, out_hbm, acc, zbits_v, basis_v, post_v, pre_v, w_v,
               sid_v, vals_v):
    _sc_body(zbits_hbm, post_hbm, pre_hbm, w_hbm, basis_hbm, sid_hbm,
             zeros_hbm, out_hbm, acc, zbits_v, basis_v, post_v, pre_v, w_v,
             sid_v, vals_v)


def _tc_add(p_ref, o_ref):
    o_ref[:] = p_ref[0] + p_ref[1]


def kernel(rec_z_buf, synapse_indices, weight_values, synaptic_basis_weights,
           syn_ids):
    z_pad = jnp.pad(rec_z_buf.reshape(N_PRE), (0, NWORDS * 32 - N_PRE))
    zbits = pl.pallas_call(
        _pack_body,
        out_shape=jax.ShapeDtypeStruct((NWORDS,), jnp.int32),
    )(z_pad.reshape(NWORDS, 32))

    sp = synapse_indices.T
    post_arr = sp[0]
    pre_arr = sp[1]
    basis_flat = synaptic_basis_weights.reshape(512 * N_BASIS)
    zeros = jnp.zeros((N_POST, N_BASIS), jnp.float32)
    partials = _sc_kernel(zbits, post_arr, pre_arr, weight_values, basis_flat,
                          syn_ids, zeros)
    p3 = partials.reshape(NC, 4000, 125)
    out = pl.pallas_call(
        _tc_add,
        out_shape=jax.ShapeDtypeStruct((4000, 125), jnp.float32),
    )(p3)
    return out.reshape(N_POST, N_BASIS)

# --- scband reference (transcript-rebuilt; emitter-appended) ---
"""Pipeline reference for scband-v1-column-7670811591210 (READ-ONLY COPY).

The authoritative reference and input builder live on the scoring server;
editing this copy changes nothing except your own understanding.
"""

import jax, jax.numpy as jnp
import numpy as np

N_PRE = 100000
N_POST = 100000
N_SYN = 6400000
N_BASIS = 5
N_SYN_TYPES = 512
BATCH = 1


def setup_inputs(seed: int = 0) -> dict:
    key = jax.random.key(seed)
    k1, k2, k3, k4, k5 = jax.random.split(key, 5)
    rec_z_buf = jax.random.normal(k1, (BATCH, N_PRE), dtype=jnp.float32)
    synapse_indices = jax.random.randint(k2, (N_SYN, 2), 0, N_POST, dtype=jnp.int32)
    weight_values = jax.random.normal(k3, (N_SYN,), dtype=jnp.float32)
    synaptic_basis_weights = jax.random.uniform(k4, (N_SYN_TYPES, N_BASIS), dtype=jnp.float32)
    syn_ids = jax.random.randint(k5, (N_SYN,), 0, N_SYN_TYPES, dtype=jnp.int32)
    return {
        "rec_z_buf": rec_z_buf,
        "synapse_indices": synapse_indices,
        "weight_values": weight_values,
        "synaptic_basis_weights": synaptic_basis_weights,
        "syn_ids": syn_ids,
    }


def reference(rec_z_buf, synapse_indices, weight_values, synaptic_basis_weights, syn_ids):
    # Faithful jax translation of calculate_synaptic_currents (forward path).
    # Original TF code: for each spiking pre-neuron, gather its outgoing synapses
    # via a ragged pre_ind_table, scale per-synapse weight by the per-type basis
    # row, and unsorted_segment_sum into flat (batch*n_post) segments.
    # Mathematically: i_rec[b, post, r] = sum_{s: post(s)=post} z[b, pre(s)] * w[s] * basis[syn_id[s], r]
    # where z = (rec_z_buf > 0). We compute this directly with gather + segment_sum.
    z = (rec_z_buf > 0.0).astype(jnp.float32)  # [B, N_PRE]
    post = synapse_indices[:, 0]  # [N_SYN]
    pre = synapse_indices[:, 1]   # [N_SYN]
    # per-synapse weight expanded over receptor basis: [N_SYN, N_BASIS]
    w_basis = weight_values[:, None] * jnp.take(synaptic_basis_weights, syn_ids, axis=0)

    def per_batch(zb):
        gated = jnp.take(zb, pre)[:, None] * w_basis  # [N_SYN, N_BASIS]
        return jax.ops.segment_sum(gated, post, num_segments=N_POST)  # [N_POST, N_BASIS]

    i_rec = jax.vmap(per_batch)(z)  # [B, N_POST, N_BASIS]
    i_rec_flat = i_rec.reshape(BATCH * N_POST, N_BASIS)
    return i_rec_flat

if __name__ == "__main__":
    import jax
    _d = setup_inputs()
    print(jax.jit(kernel)(*tuple(_d.values())))

</pallas_src>

<mosaic_0001>
#map = affine_map<(d0, d1) -> (0)>
#map1 = affine_map<(d0, d1) -> (0, 0)>
#map2 = affine_map<(d0, d1) -> (0, 0, 0)>
module attributes {stable_mosaic.version = 14 : i64} {
  func.func @_sc_kernel(%arg0: i32, %arg1: i32, %arg2: memref<3200xi32, #tpu.memory_space<hbm>>, %arg3: memref<6400000xi32, #tpu.memory_space<hbm>>, %arg4: memref<6400000xi32, #tpu.memory_space<hbm>>, %arg5: memref<6400000xf32, #tpu.memory_space<hbm>>, %arg6: memref<2560xf32, #tpu.memory_space<hbm>>, %arg7: memref<6400000xi32, #tpu.memory_space<hbm>>, %arg8: memref<100000x5xf32, #tpu.memory_space<hbm>>, %arg9: memref<2x100000x5xf32, #tpu.memory_space<hbm>>, %arg10: memref<100000x5xf32, #tpu.memory_space<vmem_shared>>, %arg11: memref<3200xi32, #tpu.memory_space<vmem>>, %arg12: memref<2560xf32, #tpu.memory_space<vmem>>, %arg13: memref<2000xi32, #tpu.memory_space<vmem>>, %arg14: memref<2000xi32, #tpu.memory_space<vmem>>, %arg15: memref<2000xf32, #tpu.memory_space<vmem>>, %arg16: memref<2000xi32, #tpu.memory_space<vmem>>, %arg17: memref<2000x5xf32, #tpu.memory_space<vmem>>) attributes {dimension_semantics = [#tpu.dimension_semantics<core_parallel>, #tpu.dimension_semantics<subcore_parallel>], iteration_bounds = array<i64: 2, 16>, scalar_prefetch = 0 : i64, scratch_operands = 8 : i64, tpu.core_type = #tpu.core_type<sc_vector_subcore>, window_params = [{transform_indices = #map}, {transform_indices = #map}, {transform_indices = #map}, {transform_indices = #map}, {transform_indices = #map}, {transform_indices = #map}, {transform_indices = #map1}, {transform_indices = #map2}]} {
    %mul3A = arith.constant 2 : i32
    %mul3A_0 = arith.muli %arg1, %mul3A : i32
    %add3A = arith.addi %mul3A_0, %arg0 : i32
    %eq3A = arith.constant 15 : i32
    %eq3A_1 = arith.cmpi eq, %arg1, %eq3A : i32
    %mul3A_2 = arith.constant 6256 : i32
    %mul3A_3 = arith.muli %arg1, %mul3A_2 : i32
    %jit3A = arith.constant 93744 : i32
    %select_n3A = arith.select %eq3A_1, %jit3A, %mul3A_3 : i32
    %multiple_of3A = tpu.assume_multiple %select_n3A, 8 : i32
    "tpu.region"() ({
      %run_scoped3A = tpu.sem_alloc : memref<!tpu.dma_semaphore, #tpu.memory_space<semaphore_mem>>
      %dma_start3A = arith.constant 0 : i32
      %dma_start3A_10 = tpu.memref_slice %arg10[%multiple_of3A, %dma_start3A] : memref<100000x5xf32, #tpu.memory_space<vmem_shared>> -> memref<6256x5xf32, #tpu.memory_space<vmem_shared>>
      %dma_start3A_11 = arith.constant 0 : i32
      %dma_start3A_12 = tpu.memref_slice %arg8[%multiple_of3A, %dma_start3A_11] : memref<100000x5xf32, #tpu.memory_space<hbm>> -> memref<6256x5xf32, #tpu.memory_space<hbm>>
      tpu.enqueue_dma source(%dma_start3A_12 : memref<6256x5xf32, #tpu.memory_space<hbm>>) target(%dma_start3A_10 : memref<6256x5xf32, #tpu.memory_space<vmem_shared>>) target_semaphore(%run_scoped3A : memref<!tpu.dma_semaphore, #tpu.memory_space<semaphore_mem>>)
      %dma_wait3A = arith.constant 0 : i32
      %dma_wait3A_13 = tpu.memref_slice %arg10[%multiple_of3A, %dma_wait3A] : memref<100000x5xf32, #tpu.memory_space<vmem_shared>> -> memref<6256x5xf32, #tpu.memory_space<vmem_shared>>
      %dma_wait3A_14 = arith.constant 0 : i32
      %dma_wait3A_15 = tpu.memref_slice %arg8[%multiple_of3A, %dma_wait3A_14] : memref<100000x5xf32, #tpu.memory_space<hbm>> -> memref<6256x5xf32, #tpu.memory_space<hbm>>
      tpu.wait_dma2 semaphore(%run_scoped3A : memref<!tpu.dma_semaphore, #tpu.memory_space<semaphore_mem>>) src(%dma_wait3A_15 : memref<6256x5xf32, #tpu.memory_space<hbm>>) dst(%dma_wait3A_13 : memref<6256x5xf32, #tpu.memory_space<vmem_shared>>)
      tpu.yield
    }) : () -> ()
    "tpu.region"() ({
      %run_scoped3A = tpu.sem_alloc : memref<!tpu.dma_semaphore, #tpu.memory_space<semaphore_mem>>
      tpu.enqueue_dma source(%arg2 : memref<3200xi32, #tpu.memory_space<hbm>>) target(%arg11 : memref<3200xi32, #tpu.memory_space<vmem>>) target_semaphore(%run_scoped3A : memref<!tpu.dma_semaphore, #tpu.memory_space<semaphore_mem>>)
      tpu.wait_dma2 semaphore(%run_scoped3A : memref<!tpu.dma_semaphore, #tpu.memory_space<semaphore_mem>>) src(%arg2 : memref<3200xi32, #tpu.memory_space<hbm>>) dst(%arg11 : memref<3200xi32, #tpu.memory_space<vmem>>)
      tpu.yield
    }) : () -> ()
    "tpu.region"() ({
      %run_scoped3A = tpu.sem_alloc : memref<!tpu.dma_semaphore, #tpu.memory_space<semaphore_mem>>
      tpu.enqueue_dma source(%arg6 : memref<2560xf32, #tpu.memory_space<hbm>>) target(%arg12 : memref<2560xf32, #tpu.memory_space<vmem>>) target_semaphore(%run_scoped3A : memref<!tpu.dma_semaphore, #tpu.memory_space<semaphore_mem>>)
      tpu.wait_dma2 semaphore(%run_scoped3A : memref<!tpu.dma_semaphore, #tpu.memory_space<semaphore_mem>>) src(%arg6 : memref<2560xf32, #tpu.memory_space<hbm>>) dst(%arg12 : memref<2560xf32, #tpu.memory_space<vmem>>)
      tpu.yield
    }) : () -> ()
    %barrier3A = arith.constant 0 : index
    tpu.barrier barrier_id(%barrier3A)
    %iota3A = tpu.iota {dimensions = array<i32: 0>} : vector<16xi32>
    %scan3A = arith.constant 0 : i32
    %scan3A_4 = arith.constant 0 : i32
    %scan3A_5 = arith.constant 100 : i32
    %scan3A_6 = arith.addi %scan3A_4, %scan3A_5 : i32
    %scan3A_7 = arith.constant 1 : i32
    scf.for %scan3A_10 = %scan3A_4 to %scan3A_6 step %scan3A_7  : i32 {
      %mul3A_11 = arith.constant 200000 : i32
      %mul3A_12 = arith.muli %add3A, %mul3A_11 : i32
      %mul3A_13 = arith.constant 2000 : i32
      %mul3A_14 = arith.muli %scan3A_10, %mul3A_13 : i32
      %add3A_15 = arith.addi %mul3A_12, %mul3A_14 : i32
      "tpu.region"() ({
        %run_scoped3A = tpu.sem_alloc : memref<!tpu.dma_semaphore, #tpu.memory_space<semaphore_mem>>
        %dma_start3A = tpu.memref_slice %arg3[%add3A_15] : memref<6400000xi32, #tpu.memory_space<hbm>> -> memref<2000xi32, #tpu.memory_space<hbm>>
        %dma_start3A_22 = tpu.memref_slice %arg3[%add3A_15] : memref<6400000xi32, #tpu.memory_space<hbm>> -> memref<2000xi32, #tpu.memory_space<hbm>>
        tpu.enqueue_dma source(%dma_start3A_22 : memref<2000xi32, #tpu.memory_space<hbm>>) target(%arg13 : memref<2000xi32, #tpu.memory_space<vmem>>) target_semaphore(%run_scoped3A : memref<!tpu.dma_semaphore, #tpu.memory_space<semaphore_mem>>)
        %dma_wait3A = tpu.memref_slice %arg3[%add3A_15] : memref<6400000xi32, #tpu.memory_space<hbm>> -> memref<2000xi32, #tpu.memory_space<hbm>>
        %dma_wait3A_23 = tpu.memref_slice %arg3[%add3A_15] : memref<6400000xi32, #tpu.memory_space<hbm>> -> memref<2000xi32, #tpu.memory_space<hbm>>
        tpu.wait_dma2 semaphore(%run_scoped3A : memref<!tpu.dma_semaphore, #tpu.memory_space<semaphore_mem>>) src(%dma_wait3A_23 : memref<2000xi32, #tpu.memory_space<hbm>>) dst(%arg13 : memref<2000xi32, #tpu.memory_space<vmem>>)
        tpu.yield
      }) : () -> ()
      "tpu.region"() ({
        %run_scoped3A = tpu.sem_alloc : memref<!tpu.dma_semaphore, #tpu.memory_space<semaphore_mem>>
        %dma_start3A = tpu.memref_slice %arg4[%add3A_15] : memref<6400000xi32, #tpu.memory_space<hbm>> -> memref<2000xi32, #tpu.memory_space<hbm>>
        %dma_start3A_22 = tpu.memref_slice %arg4[%add3A_15] : memref<6400000xi32, #tpu.memory_space<hbm>> -> memref<2000xi32, #tpu.memory_space<hbm>>
        tpu.enqueue_dma source(%dma_start3A_22 : memref<2000xi32, #tpu.memory_space<hbm>>) target(%arg14 : memref<2000xi32, #tpu.memory_space<vmem>>) target_semaphore(%run_scoped3A : memref<!tpu.dma_semaphore, #tpu.memory_space<semaphore_mem>>)
        %dma_wait3A = tpu.memref_slice %arg4[%add3A_15] : memref<6400000xi32, #tpu.memory_space<hbm>> -> memref<2000xi32, #tpu.memory_space<hbm>>
        %dma_wait3A_23 = tpu.memref_slice %arg4[%add3A_15] : memref<6400000xi32, #tpu.memory_space<hbm>> -> memref<2000xi32, #tpu.memory_space<hbm>>
        tpu.wait_dma2 semaphore(%run_scoped3A : memref<!tpu.dma_semaphore, #tpu.memory_space<semaphore_mem>>) src(%dma_wait3A_23 : memref<2000xi32, #tpu.memory_space<hbm>>) dst(%arg14 : memref<2000xi32, #tpu.memory_space<vmem>>)
        tpu.yield
      }) : () -> ()
      "tpu.region"() ({
        %run_scoped3A = tpu.sem_alloc : memref<!tpu.dma_semaphore, #tpu.memory_space<semaphore_mem>>
        %dma_start3A = tpu.memref_slice %arg5[%add3A_15] : memref<6400000xf32, #tpu.memory_space<hbm>> -> memref<2000xf32, #tpu.memory_space<hbm>>
        %dma_start3A_22 = tpu.memref_slice %arg5[%add3A_15] : memref<6400000xf32, #tpu.memory_space<hbm>> -> memref<2000xf32, #tpu.memory_space<hbm>>
        tpu.enqueue_dma source(%dma_start3A_22 : memref<2000xf32, #tpu.memory_space<hbm>>) target(%arg15 : memref<2000xf32, #tpu.memory_space<vmem>>) target_semaphore(%run_scoped3A : memref<!tpu.dma_semaphore, #tpu.memory_space<semaphore_mem>>)
        %dma_wait3A = tpu.memref_slice %arg5[%add3A_15] : memref<6400000xf32, #tpu.memory_space<hbm>> -> memref<2000xf32, #tpu.memory_space<hbm>>
        %dma_wait3A_23 = tpu.memref_slice %arg5[%add3A_15] : memref<6400000xf32, #tpu.memory_space<hbm>> -> memref<2000xf32, #tpu.memory_space<hbm>>
        tpu.wait_dma2 semaphore(%run_scoped3A : memref<!tpu.dma_semaphore, #tpu.memory_space<semaphore_mem>>) src(%dma_wait3A_23 : memref<2000xf32, #tpu.memory_space<hbm>>) dst(%arg15 : memref<2000xf32, #tpu.memory_space<vmem>>)
        tpu.yield
      }) : () -> ()
      "tpu.region"() ({
        %run_scoped3A = tpu.sem_alloc : memref<!tpu.dma_semaphore, #tpu.memory_space<semaphore_mem>>
        %dma_start3A = tpu.memref_slice %arg7[%add3A_15] : memref<6400000xi32, #tpu.memory_space<hbm>> -> memref<2000xi32, #tpu.memory_space<hbm>>
        %dma_start3A_22 = tpu.memref_slice %arg7[%add3A_15] : memref<6400000xi32, #tpu.memory_space<hbm>> -> memref<2000xi32, #tpu.memory_space<hbm>>
        tpu.enqueue_dma source(%dma_start3A_22 : memref<2000xi32, #tpu.memory_space<hbm>>) target(%arg16 : memref<2000xi32, #tpu.memory_space<vmem>>) target_semaphore(%run_scoped3A : memref<!tpu.dma_semaphore, #tpu.memory_space<semaphore_mem>>)
        %dma_wait3A = tpu.memref_slice %arg7[%add3A_15] : memref<6400000xi32, #tpu.memory_space<hbm>> -> memref<2000xi32, #tpu.memory_space<hbm>>
        %dma_wait3A_23 = tpu.memref_slice %arg7[%add3A_15] : memref<6400000xi32, #tpu.memory_space<hbm>> -> memref<2000xi32, #tpu.memory_space<hbm>>
        tpu.wait_dma2 semaphore(%run_scoped3A : memref<!tpu.dma_semaphore, #tpu.memory_space<semaphore_mem>>) src(%dma_wait3A_23 : memref<2000xi32, #tpu.memory_space<hbm>>) dst(%arg16 : memref<2000xi32, #tpu.memory_space<vmem>>)
        tpu.yield
      }) : () -> ()
      %scan3A_16 = arith.constant 0 : i32
      %scan3A_17 = arith.constant 0 : i32
      %scan3A_18 = arith.constant 125 : i32
      %scan3A_19 = arith.addi %scan3A_17, %scan3A_18 : i32
      %scan3A_20 = arith.constant 1 : i32
      scf.for %scan3A_22 = %scan3A_17 to %scan3A_19 step %scan3A_20  : i32 {
        %mul3A_23 = arith.constant 16 : i32
        %mul3A_24 = arith.muli %scan3A_22, %mul3A_23 : i32
        %get3A = arith.index_cast %mul3A_24 : i32 to index
        %get3A_25 = tpu.vector_load %arg14[%get3A] {strides = array<i32>} : memref<2000xi32, #tpu.memory_space<vmem>>, vector<16xi32>,
        %shift_right_logical3A = arith.constant 5 : i32
        %shift_right_logical3A_26 = vector.broadcast %shift_right_logical3A : i32 to vector<16xi32>
        %shift_right_logical3A_27 = arith.shrui %get3A_25, %shift_right_logical3A_26 : vector<16xi32>
        %gather3A = tpu.vector_load_idx %arg11[%shift_right_logical3A_27] : memref<3200xi32, #tpu.memory_space<vmem>>[vector<16xi32>], vector<16xi32>,
        %and3A = arith.constant 31 : i32
        %and3A_28 = vector.broadcast %and3A : i32 to vector<16xi32>
        %and3A_29 = arith.andi %get3A_25, %and3A_28 : vector<16xi32>
        %shift_right_logical3A_30 = arith.shrui %gather3A, %and3A_29 : vector<16xi32>
        %and3A_31 = arith.constant 1 : i32
        %and3A_32 = vector.broadcast %and3A_31 : i32 to vector<16xi32>
        %and3A_33 = arith.andi %shift_right_logical3A_30, %and3A_32 : vector<16xi32>
        %convert_element_type3A = arith.sitofp %and3A_33 : vector<16xi32> to vector<16xf32>
        %get3A_34 = arith.index_cast %mul3A_24 : i32 to index
        %get3A_35 = tpu.vector_load %arg15[%get3A_34] {strides = array<i32>} : memref<2000xf32, #tpu.memory_space<vmem>>, vector<16xf32>,
        %mul3A_36 = arith.mulf %get3A_35, %convert_element_type3A : vector<16xf32>
        %get3A_37 = arith.index_cast %mul3A_24 : i32 to index
        %get3A_38 = tpu.vector_load %arg16[%get3A_37] {strides = array<i32>} : memref<2000xi32, #tpu.memory_space<vmem>>, vector<16xi32>,
        %mul3A_39 = arith.constant 5 : i32
        %mul3A_40 = vector.broadcast %mul3A_39 : i32 to vector<16xi32>
        %mul3A_41 = arith.muli %get3A_38, %mul3A_40 : vector<16xi32>
        %add3A_42 = vector.broadcast %mul3A_24 : i32 to vector<16xi32>
        %add3A_43 = arith.addi %iota3A, %add3A_42 : vector<16xi32>
        %add3A_44 = arith.constant 0 : i32
        %add3A_45 = vector.broadcast %add3A_44 : i32 to vector<16xi32>
        %add3A_46 = arith.addi %mul3A_41, %add3A_45 : vector<16xi32>
        %gather3A_47 = tpu.vector_load_idx %arg12[%add3A_46] : memref<2560xf32, #tpu.memory_space<vmem>>[vector<16xi32>], vector<16xf32>,
        %mul3A_48 = arith.mulf %mul3A_36, %gather3A_47 : vector<16xf32>
        %broadcast_in_dim3A = arith.constant 0 : i32
        %broadcast_in_dim3A_49 = vector.broadcast %broadcast_in_dim3A : i32 to vector<16xi32>
        tpu.vector_store_idx %arg17[%add3A_43, %broadcast_in_dim3A_49], %mul3A_48 : memref<2000x5xf32, #tpu.memory_space<vmem>>[vector<16xi32>, vector<16xi32>], vector<16xf32>,
        %add3A_50 = arith.constant 1 : i32
        %add3A_51 = vector.broadcast %add3A_50 : i32 to vector<16xi32>
        %add3A_52 = arith.addi %mul3A_41, %add3A_51 : vector<16xi32>
        %gather3A_53 = tpu.vector_load_idx %arg12[%add3A_52] : memref<2560xf32, #tpu.memory_space<vmem>>[vector<16xi32>], vector<16xf32>,
        %mul3A_54 = arith.mulf %mul3A_36, %gather3A_53 : vector<16xf32>
        %broadcast_in_dim3A_55 = arith.constant 1 : i32
        %broadcast_in_dim3A_56 = vector.broadcast %broadcast_in_dim3A_55 : i32 to vector<16xi32>
        tpu.vector_store_idx %arg17[%add3A_43, %broadcast_in_dim3A_56], %mul3A_54 : memref<2000x5xf32, #tpu.memory_space<vmem>>[vector<16xi32>, vector<16xi32>], vector<16xf32>,
        %add3A_57 = arith.constant 2 : i32
        %add3A_58 = vector.broadcast %add3A_57 : i32 to vector<16xi32>
        %add3A_59 = arith.addi %mul3A_41, %add3A_58 : vector<16xi32>
        %gather3A_60 = tpu.vector_load_idx %arg12[%add3A_59] : memref<2560xf32, #tpu.memory_space<vmem>>[vector<16xi32>], vector<16xf32>,
        %mul3A_61 = arith.mulf %mul3A_36, %gather3A_60 : vector<16xf32>
        %broadcast_in_dim3A_62 = arith.constant 2 : i32
        %broadcast_in_dim3A_63 = vector.broadcast %broadcast_in_dim3A_62 : i32 to vector<16xi32>
        tpu.vector_store_idx %arg17[%add3A_43, %broadcast_in_dim3A_63], %mul3A_61 : memref<2000x5xf32, #tpu.memory_space<vmem>>[vector<16xi32>, vector<16xi32>], vector<16xf32>,
        %add3A_64 = arith.constant 3 : i32
        %add3A_65 = vector.broadcast %add3A_64 : i32 to vector<16xi32>
        %add3A_66 = arith.addi %mul3A_41, %add3A_65 : vector<16xi32>
        %gather3A_67 = tpu.vector_load_idx %arg12[%add3A_66] : memref<2560xf32, #tpu.memory_space<vmem>>[vector<16xi32>], vector<16xf32>,
        %mul3A_68 = arith.mulf %mul3A_36, %gather3A_67 : vector<16xf32>
        %broadcast_in_dim3A_69 = arith.constant 3 : i32
        %broadcast_in_dim3A_70 = vector.broadcast %broadcast_in_dim3A_69 : i32 to vector<16xi32>
        tpu.vector_store_idx %arg17[%add3A_43, %broadcast_in_dim3A_70], %mul3A_68 : memref<2000x5xf32, #tpu.memory_space<vmem>>[vector<16xi32>, vector<16xi32>], vector<16xf32>,
        %add3A_71 = arith.constant 4 : i32
        %add3A_72 = vector.broadcast %add3A_71 : i32 to vector<16xi32>
        %add3A_73 = arith.addi %mul3A_41, %add3A_72 : vector<16xi32>
        %gather3A_74 = tpu.vector_load_idx %arg12[%add3A_73] : memref<2560xf32, #tpu.memory_space<vmem>>[vector<16xi32>], vector<16xf32>,
        %mul3A_75 = arith.mulf %mul3A_36, %gather3A_74 : vector<16xf32>
        %broadcast_in_dim3A_76 = arith.constant 4 : i32
        %broadcast_in_dim3A_77 = vector.broadcast %broadcast_in_dim3A_76 : i32 to vector<16xi32>
        tpu.vector_store_idx %arg17[%add3A_43, %broadcast_in_dim3A_77], %mul3A_75 : memref<2000x5xf32, #tpu.memory_space<vmem>>[vector<16xi32>, vector<16xi32>], vector<16xf32>,
      }
      %scan3A_21 = arith.constant 125 : i32
      "tpu.region"() ({
        %run_scoped3A = tpu.sem_alloc : memref<!tpu.dma_semaphore, #tpu.memory_space<semaphore_mem>>
        %dma_start3A = arith.constant 0 : i32
        %dma_start3A_22 = arith.constant 0 : i32
        %dma_start3A_23 = tpu.memref_slice %arg10[%dma_start3A, %dma_start3A_22] : memref<100000x5xf32, #tpu.memory_space<vmem_shared>> -> memref<100000x5xf32, #tpu.memory_space<vmem_shared>>
        tpu.enqueue_indirect_dma source(%arg17 : memref<2000x5xf32, #tpu.memory_space<vmem>>) target(%dma_start3A_23 : memref<100000x5xf32, #tpu.memory_space<vmem_shared>>) offsets(%arg13 : memref<2000xi32, #tpu.memory_space<vmem>>) semaphore(%run_scoped3A : memref<!tpu.dma_semaphore, #tpu.memory_space<semaphore_mem>>) {add = true}
        %dma_wait3A = arith.constant 0 : i32
        %dma_wait3A_24 = arith.constant 0 : i32
        %dma_wait3A_25 = tpu.memref_slice %arg10[%dma_wait3A, %dma_wait3A_24] : memref<100000x5xf32, #tpu.memory_space<vmem_shared>> -> memref<100000x5xf32, #tpu.memory_space<vmem_shared>>
        tpu.wait_indirect_dma semaphore(%run_scoped3A : memref<!tpu.dma_semaphore, #tpu.memory_space<semaphore_mem>>) src(%arg17 : memref<2000x5xf32, #tpu.memory_space<vmem>>) dst(%dma_wait3A_25 : memref<100000x5xf32, #tpu.memory_space<vmem_shared>>)
        tpu.yield
      }) : () -> ()
    }
    %scan3A_8 = arith.constant 100 : i32
    %barrier3A_9 = arith.constant 0 : index
    tpu.barrier barrier_id(%barrier3A_9)
    "tpu.region"() ({
      %run_scoped3A = tpu.sem_alloc : memref<!tpu.dma_semaphore, #tpu.memory_space<semaphore_mem>>
      %dma_start3A = arith.constant 0 : i32
      %dma_start3A_10 = tpu.memref_slice %arg9[%arg0, %multiple_of3A, %dma_start3A] : memref<2x100000x5xf32, #tpu.memory_space<hbm>> -> memref<1x6256x5xf32, #tpu.memory_space<hbm>>
      %dma_start3A_11 = tpu.memref_squeeze %dma_start3A_10 : memref<1x6256x5xf32, #tpu.memory_space<hbm>> -> memref<6256x5xf32, #tpu.memory_space<hbm>>
      %dma_start3A_12 = arith.constant 0 : i32
      %dma_start3A_13 = tpu.memref_slice %arg10[%multiple_of3A, %dma_start3A_12] : memref<100000x5xf32, #tpu.memory_space<vmem_shared>> -> memref<6256x5xf32, #tpu.memory_space<vmem_shared>>
      tpu.enqueue_dma source(%dma_start3A_13 : memref<6256x5xf32, #tpu.memory_space<vmem_shared>>) target(%dma_start3A_11 : memref<6256x5xf32, #tpu.memory_space<hbm>>) target_semaphore(%run_scoped3A : memref<!tpu.dma_semaphore, #tpu.memory_space<semaphore_mem>>)
      %dma_wait3A = arith.constant 0 : i32
      %dma_wait3A_14 = tpu.memref_slice %arg9[%arg0, %multiple_of3A, %dma_wait3A] : memref<2x100000x5xf32, #tpu.memory_space<hbm>> -> memref<1x6256x5xf32, #tpu.memory_space<hbm>>
      %dma_wait3A_15 = tpu.memref_squeeze %dma_wait3A_14 : memref<1x6256x5xf32, #tpu.memory_space<hbm>> -> memref<6256x5xf32, #tpu.memory_space<hbm>>
      %dma_wait3A_16 = arith.constant 0 : i32
      %dma_wait3A_17 = tpu.memref_slice %arg10[%multiple_of3A, %dma_wait3A_16] : memref<100000x5xf32, #tpu.memory_space<vmem_shared>> -> memref<6256x5xf32, #tpu.memory_space<vmem_shared>>
      tpu.wait_dma2 semaphore(%run_scoped3A : memref<!tpu.dma_semaphore, #tpu.memory_space<semaphore_mem>>) src(%dma_wait3A_17 : memref<6256x5xf32, #tpu.memory_space<vmem_shared>>) dst(%dma_wait3A_15 : memref<6256x5xf32, #tpu.memory_space<hbm>>)
      tpu.yield
    }) : () -> ()
    return
  }
}

module attributes {stable_mosaic.version = 14 : i64} {
  func.func @_pack_body(%arg0: memref<3200x32xf32, #tpu.memory_space<vmem>>, %arg1: memref<3200xi32, #tpu.memory_space<vmem>>) attributes {dimension_semantics = [], scalar_prefetch = 0 : i64, scratch_operands = 0 : i64, tpu.core_type = #tpu.core_type<tc>} {
    %iota3A = tpu.iota {dimensions = array<i32: 1>} : vector<3200x32xi32>
    %get3A = arith.constant 0 : index
    %get3A_0 = arith.constant 0 : index
    %get3A_1 = vector.load %arg0[%get3A, %get3A_0] : memref<3200x32xf32, #tpu.memory_space<vmem>>, vector<3200x32xf32>
    %gt3A = arith.constant 0.000000e+00 : f32
    %gt3A_2 = vector.broadcast %gt3A : f32 to vector<3200x32xf32>
    %gt3A_3 = arith.cmpf ogt, %get3A_1, %gt3A_2 : vector<3200x32xf32>
    %shift_left3A = arith.constant 1 : i32
    %shift_left3A_4 = vector.broadcast %shift_left3A : i32 to vector<3200x32xi32>
    %shift_left3A_5 = arith.shli %shift_left3A_4, %iota3A : vector<3200x32xi32>
    %jit3A = arith.constant 0 : i32
    %broadcast_in_dim3A = vector.broadcast %jit3A : i32 to vector<3200x32xi32>
    %select_n3A = arith.select %gt3A_3, %shift_left3A_5, %broadcast_in_dim3A : vector<3200x32xi1>, vector<3200x32xi32>
    %reduce_sum3A = arith.constant dense<0> : vector<3200xi32>
    %reduce_sum3A_6 = vector.multi_reduction <add>, %select_n3A, %reduce_sum3A [1] : vector<3200x32xi32> to vector<3200xi32>
    %swap3A = arith.constant 0 : index
    %swap3A_7 = vector.load %arg1[%swap3A] : memref<3200xi32, #tpu.memory_space<vmem>>, vector<3200xi32>
    tpu.vector_store %arg1[%swap3A], %reduce_sum3A_6 {strides = array<i32>} : memref<3200xi32, #tpu.memory_space<vmem>>, vector<3200xi32>,
    return
  }
}

module attributes {stable_mosaic.version = 14 : i64} {
  func.func @_tc_add(%arg0: memref<2x4000x125xf32, #tpu.memory_space<vmem>>, %arg1: memref<4000x125xf32, #tpu.memory_space<vmem>>) attributes {dimension_semantics = [], scalar_prefetch = 0 : i64, scratch_operands = 0 : i64, tpu.core_type = #tpu.core_type<tc>} {
    %get3A = arith.constant 0 : index
    %get3A_0 = arith.constant 0 : index
    %get3A_1 = arith.constant 0 : index
    %get3A_2 = vector.load %arg0[%get3A, %get3A_0, %get3A_1] : memref<2x4000x125xf32, #tpu.memory_space<vmem>>, vector<1x4000x125xf32>
    %get3A_3 = vector.shape_cast %get3A_2 : vector<1x4000x125xf32> to vector<4000x125xf32>
    %get3A_4 = arith.constant 1 : index
    %get3A_5 = arith.constant 0 : index
    %get3A_6 = arith.constant 0 : index
    %get3A_7 = vector.load %arg0[%get3A_4, %get3A_5, %get3A_6] : memref<2x4000x125xf32, #tpu.memory_space<vmem>>, vector<1x4000x125xf32>
    %get3A_8 = vector.shape_cast %get3A_7 : vector<1x4000x125xf32> to vector<4000x125xf32>
    %add3A = arith.addf %get3A_3, %get3A_8 : vector<4000x125xf32>
    %swap3A = arith.constant 0 : index
    %swap3A_9 = arith.constant 0 : index
    %swap3A_10 = vector.load %arg1[%swap3A, %swap3A_9] : memref<4000x125xf32, #tpu.memory_space<vmem>>, vector<4000x125xf32>
    tpu.vector_store %arg1[%swap3A, %swap3A_9], %add3A {strides = array<i32>} : memref<4000x125xf32, #tpu.memory_space<vmem>>, vector<4000x125xf32>,
    return
  }
}

</mosaic_0001>

<sc_bundles>
// kernel: kernel.5.cloned.1.call-start
scs
__scs_entry_jumppad:
0x0: {  	(pc) =	sbr.rel $0x88, $3  }
0x1: {  	(tag) =	ssettag $0x0;
	lr =	simm.s32 $0x1  }
0x2: {  	[smem:$0x3F9C] =	sst lr;
	_ =	strace $0xD0000000  }
0x3: {  	_ = 	snop  }
0x4: {  	_ = 	snop  }
0x5: {  	_ = 	snop  }
0x6: {  	_ = 	snop  }
0x7: {  	_ = 	snop  }
__scs_overlays_trampoline_lowered:
0x8: {  	[smem:$0x3FAB] =	sst s0  }
0x9: {  	[smem:$0x3FAC] =	sst s1  }
0xa: {  	[smem:$0x3FAD] =	sst s2  }
0xb: {  	[smem:$0x3FAE] =	sst s3  }
0xc: {  	[smem:$0x3FAF] =	sst s4  }
0xd: {  	[smem:$0x3FB0] =	sst s5  }
0xe: {  	[smem:$0x3FB1] =	sst s6  }
0xf: {  	[smem:$0x3FB2] =	sst s7  }
0x10: {  	[smem:$0x3FB3] =	sst s8  }
0x11: {  	[smem:$0x3FB4] =	sst s9;
	s0 =	simm.s32 @!p0 $0x0  }
0x12: {  	s1 =	sld [smem:$0x3F9A];
	s0 =	simm.s32 @p0 $0x1  }
0x13: {  	[smem:$0x3FB5] =	sst s0;
	s0 =	simm.s32 @!p1 $0x0  }
0x14: {  	s2 =	sld [smem:$0x3F99];
	s0 =	simm.s32 @p1 $0x1  }
0x15: {  	[smem:$0x3FB6] =	sst s0;
	s0 =	simm.s32 @!p2 $0x0  }
0x16: {  	s3 =	sld [smem:$0x3FDB];
	s0 =	simm.s32 @p2 $0x1  }
0x17: {  	s4 =	simm.s32 $0x1BF5;
	[smem:$0x3FB8] =	sst s0  }
0x18: {  	s0 =	sld [smem:$0x3F9B];
	_ =	swait.ge [sflag:s4], $0x0  }
0x19: {  	s7 =	sld [smem:$0x3F9C]  }
0x1a: {  	s8 =	sadd.s32 $0xFFFFE003, lr  }
0x1b: {  	s9 =	sadd.s32 $0xFFFFFEF7, lr;
	s5 =	simm.s32 $0xFFFFFFFF;
	p2 =	slt.u32 s8, $0xFFFFF086  }
0x1c: {  	p1 =	slt.u32 s9, $0xF7A;
	s5 =	simm.s32 @!p2 $0x0  }
0x1d: {  	s5 =	simm.s32 @p1 $0x1;
	p0 =	seq.s32 s7, s2  }
0x1e: {  	s7 =	smul.u32 @!p0 $0xF7A, s2;
	p2 =	seq.s32 @!p0 s5, $0x0  }
0x1f: {  	s9 =	smul.u32 $0xF7A, s1;
	s8 =	simm.s32 @!p0 $0x1BF5;
	p2 =	por !p2, p0  }
0x20: {  	[sflag:s8] =	ssyncset.s32 @!p0 $0xFFFFF086;
	s6 =	sadd.s32 @!p0 s3, s7;
	s7 =	simm.s32 @!p0 $0x108  }
0x21: {  	s3 =	sadd.s32 s3, s9;
	s6 =	sadd.s32 @!p0 $0x88, s6;
	s7 =	simm.s32 @p2 $0x1082  }
0x22: {  	[simem:s7], [sflag:s8] =	dma.local @!p0 [hbm:s6], $0xF7A  }
0x23: {  	s9 =	sor.u32 $0xD0000000, s2;
	s6 =	simm.s32 $0x108;
	_ =	swait.ge @!p0 [sflag:s8], $0x0  }
0x24: {  	s3 =	sadd.s32 $0x88, s3;
	s6 =	simm.s32 @!p1 $0x1082;
	[sflag:s4] =	ssyncset.s32 $0xFFFFF086  }
0x25: {  	[simem:s6], [sflag:s4] =	dma.local [hbm:s3], $0xF7A  }
0x26: {  	[smem:$0x3F9C] =	sst s1;
	(tag) =	ssettag s2;
	_ =	strace s9  }
0x27: {  	s1 =	sld [smem:$0x3FAC]  }
0x28: {  	s2 =	sld [smem:$0x3FAD]  }
0x29: {  	s4 =	sld [smem:$0x3FAF]  }
0x2a: {  	p0 =	seq.s32 s5, $0x0;
	s5 =	sld [smem:$0x3FB0]  }
0x2b: {  	s6 =	sld [smem:$0x3FB1]  }
0x2c: {  	s7 =	sld [smem:$0x3FB2]  }
0x2d: {  	s3 =	simm.s32 $0x108;
	s8 =	sld [smem:$0x3FB3]  }
0x2e: {  	s3 =	simm.s32 @!p0 $0x1082;
	s9 =	sld [smem:$0x3FB4]  }
0x2f: {  	lr =	sadd.s32 s0, s3;
	s0 =	sld [smem:$0x3FAB]  }
0x30: {  	s3 =	sld [smem:$0x3FAE]  }
0x31: {  	[smem:$0x3FB7] =	sst s10  }
0x32: {  	s10 =	sld [smem:$0x3FB5];
	_ =	sdelay $0x3  }
0x33: {  	p0 =	seq.s32 s10, $0x1;
	s10 =	sld [smem:$0x3FB7];
	_ =	sdelay $0x3  }
0x34: {  	[smem:$0x3FB7] =	sst s10  }
0x35: {  	s10 =	sld [smem:$0x3FB6];
	_ =	sdelay $0x3  }
0x36: {  	p1 =	seq.s32 s10, $0x1;
	s10 =	sld [smem:$0x3FB7];
	_ =	sdelay $0x3  }
0x37: {  	[smem:$0x3FB7] =	sst s10  }
0x38: {  	s10 =	sld [smem:$0x3FB8]  }
0x39: {  	_ = 	snop;
	(pc) =	sbr.ind lr, $3  }
0x3a: {  	_ = 	snop  }
0x3b: {  	_ = 	snop  }
0x3c: {  	p2 =	seq.s32 s10, $0x1;
	s10 =	sld [smem:$0x3FB7]  }
0x3d: {  	_ =	shalt  }
0x3e: {  	_ =	shalt  }
0x3f: {  	_ =	shalt  }
0x40: {  	_ =	shalt  }
0x41: {  	_ =	shalt  }
0x42: {  	_ =	shalt  }
0x43: {  	_ =	shalt  }
0x44: {  	_ =	shalt  }
0x45: {  	_ =	shalt  }
0x46: {  	_ =	shalt  }
0x47: {  	_ =	shalt  }
0x48: {  	_ =	shalt  }
0x49: {  	_ =	shalt  }
0x4a: {  	_ =	shalt  }
0x4b: {  	_ =	shalt  }
0x4c: {  	_ =	shalt  }
0x4d: {  	_ =	shalt  }
0x4e: {  	_ =	shalt  }
0x4f: {  	_ =	shalt  }
0x50: {  	_ =	shalt  }
0x51: {  	_ =	shalt  }
0x52: {  	_ =	shalt  }
0x53: {  	_ =	shalt  }
0x54: {  	_ =	shalt  }
0x55: {  	_ =	shalt  }
0x56: {  	_ =	shalt  }
0x57: {  	_ =	shalt  }
0x58: {  	_ =	shalt  }
0x59: {  	_ =	shalt  }
0x5a: {  	_ =	shalt  }
0x5b: {  	_ =	shalt  }
0x5c: {  	_ =	shalt  }
0x5d: {  	_ =	shalt  }
0x5e: {  	_ =	shalt  }
0x5f: {  	_ =	shalt  }
0x60: {  	_ =	shalt  }
0x61: {  	_ =	shalt  }
0x62: {  	_ =	shalt  }
0x63: {  	_ =	shalt  }
0x64: {  	_ =	shalt  }
0x65: {  	_ =	shalt  }
0x66: {  	_ =	shalt  }
0x67: {  	_ =	shalt  }
0x68: {  	_ =	shalt  }
0x69: {  	_ =	shalt  }
0x6a: {  	_ =	shalt  }
0x6b: {  	_ =	shalt  }
0x6c: {  	_ =	shalt  }
0x6d: {  	_ =	shalt  }
0x6e: {  	_ =	shalt  }
0x6f: {  	_ =	shalt  }
0x70: {  	_ =	shalt  }
0x71: {  	_ =	shalt  }
0x72: {  	_ =	shalt  }
0x73: {  	_ =	shalt  }
0x74: {  	_ =	shalt  }
0x75: {  	_ =	shalt  }
0x76: {  	_ =	shalt  }
0x77: {  	_ =	shalt  }
0x78: {  	_ =	shalt  }
0x79: {  	_ =	shalt  }
0x7a: {  	_ =	shalt  }
0x7b: {  	_ =	shalt  }
0x7c: {  	_ =	shalt  }
0x7d: {  	_ =	shalt  }
0x7e: {  	_ =	shalt  }
0x7f: {  	_ =	shalt  }
0x80: {  	_ =	shalt  }
0x81: {  	_ =	shalt  }
0x82: {  	_ =	shalt  }
0x83: {  	_ =	shalt  }
0x84: {  	_ =	shalt  }
0x85: {  	_ =	shalt  }
0x86: {  	_ =	shalt  }
0x87: {  	_ =	shalt  }
.Lfunc_end0:
.L_simem_size_0:
called_computation_lowered:
.L_overlay_start_0:
0x88: {  	s2 =	sld [smem:$0x3FD9]  }
0x89: {  	s3 =	sld [smem:$0x3FFE];
	_ =	sdelay $0x1  }
0x8a: {  	s1 =	srdreg.scid  }
0x8b: {  	s0 =	sand.u32 $0x1, s1  }
0x8c: {  	s17 =	sshll.u32 s0, $0xA;
	s2 =	sadd.s32 s3, s2  }
0x8d: {  	s2 =	sadd.s32 s2, s17  }
0x8e: {  	[smem:$0x3FC3] =	sst s2  }
0x8f: {  	_ = 	snop  }
0x90: {  	s2 =	sld [smem:$0x3FC7]  }
0x91: {  	s18 =	sld [smem:$0x3FC5]  }
0x92: {  	s4 =	sld [smem:$0x3FD0];
	(tm) =	ssettm $0x1  }
0x93: {  	s5 =	sld [smem:$0x3FFB];
	_ =	sdelay $0x3  }
0x94: {  	_ =	strace s5  }
0x95: {  	s5 =	sld [smem:$0x3FFC];
	_ =	sdelay $0x3  }
0x96: {  	_ =	strace s5  }
0x97: {  	s5 =	sld [smem:$0x3FFD];
	_ =	sdelay $0x3  }
0x98: {  	_ =	strace s5  }
0x99: {  	_ =	strace $0x8FFFFFFF  }
0x9a: {  	s19 =	sld [smem:$0x3FDB];
	_ =	sdelay $0x1  }
0x9b: {  	s6 =	simm.s32 $_scs_section_size  }
0x9c: {  	s7 =	simm.s32 $_size__tile_overlayer_lowered;
	s8 =	simm.s32 $_tile_overlayer_lowered  }
0x9d: {  	s22 =	simm.s32 $0x1BFF;
	s21 =	sshll.u32 s8, $0x1;
	s5 =	sadd.s32 s6, s19  }
0x9e: {  	s9 =	simm.s32 $0x0;
	s20 =	sshll.u32 s7, $0x1;
	s7 =	sadd.s32 s21, s5  }
0x9f: {  	[timem:s9], [sflag:s22] =	dma.local [hbm:s7], s20  }
0xa0: {  	_ =	swait.ge [sflag:s22], s20  }
0xa1: {  	s6 =	ssub.s32 $0x0, s20;
	[sflag:s22] =	ssyncset.done $0x0  }
0xa2: {  	[sflag:s22] =	ssyncadd.s32 s6;
	_ =	sdelay $0x1  }
0xa3: {  	s23 =	simm.s32 $0x1B8B  }
0xa4: {  	_ =	swait.ge [sflag:s23], $0x1  }
0xa5: {  	[sflag:s23] =	ssyncset.done $0x0  }
0xa6: {  	s25 =	simm.s32 $0x1B8E;
	s24 =	sld [smem:$0x3FFE];
	[sflag:s23] =	ssyncadd.s32 $0xFFFFFFFF  }
0xa7: {  	s26 =	simm.s32 $execute0_lowered;
	[smem:$0x3FD2] =	sst s25  }
0xa8: {  	s7 =	sshll.u32 s26, $0x1;
	_ =	strace $0x80000046;
	[dreg:$0x1] =	wrdreg $0xFFFFFFFF  }
0xa9: {  	s28 =	simm.s32 $_size_execute0_lowered;
	s5 =	sadd.s32 s5, s7;
	[dreg:$0x0] =	wrdreg $0x0  }
0xaa: {  	s7 =	sshll.u32 s28, $0x1;
	[dreg:$0x2] =	wrdreg s5  }
0xab: {  	[dreg:$0x3] =	wrdreg s7  }
0xac: {  	[dreg:$0x4] =	wrdreg $0xC0  }
0xad: {  	_ =	task [dreg:s9], $0x5FFFF  }
0xae: {  	[dreg:$0x1] =	wrdreg $0xFFFFFFFF  }
0xaf: {  	[dreg:$0x0] =	wrdreg $0x60  }
0xb0: {  	[dreg:$0x2] =	wrdreg s24  }
0xb1: {  	[dreg:$0x3] =	wrdreg s2  }
0xb2: {  	[dreg:$0x4] =	wrdreg s18  }
0xb3: {  	[dreg:$0x5] =	wrdreg s4  }
0xb4: {  	[dreg:$0x6] =	wrdreg $0x0  }
0xb5: {  	[dreg:$0x7] =	wrdreg $0x9  }
0xb6: {  	_ =	task.clear_ibuf [dreg:s9], $0x8FFFF;
	_ =	strace $0x90000046  }
0xb7: {  	s29 =	simm.s32 $0x9;
	_ =	strace $0x80000048  }
0xb8: {  	_ =	swait.ge [sflag:s29], $0x1  }
0xb9: {  	[sflag:s29] =	ssyncadd.s32 $0xFFFFFFFF  }
0xba: {  	_ =	strace $0x90000048  }
0xbb: {  	_ =	sfence  }
0xbc: {  	s30 =	sld [smem:$0x0];
	_ =	sdelay $0x2  }
0xbd: {  	s31 =	sshll.u32 s1, $0xD;
	s1 =	sshrl.u32 s1, $0x2  }
0xbe: {  	s3 =	sand.u32 $0x4000, s31;
	s1 =	sadd.s32 s1, s30  }
0xbf: {  	s0 =	sor.u32 s3, s0;
	s1 =	sshll.u32 s1, $0x11  }
0xc0: {  	s0 =	sor.u32 s1, s0  }
0xc1: {  	s0 =	sadd.s32 $0x8F2B, s0  }
0xc2: {  	[sflag:s0] =	ssyncadd.remote.s32 $0x1  }
0xc3: {  	_ =	sfence.sel $0xFFFF  }
0xc4: {  	[dreg:$0x0] =	wrdreg $0xFFFFFFFF;
	(pc) =	sbr.abs _section_cstart, $3  }
0xc5: {  	[dreg:$0x1] =	wrdreg $0xFFFFFFFF  }
0xc6: {  	_ =	task.clear_ibuf [dreg:s9], $0x2FFFF;
	_ =	strace $0x9FFFFFFF  }
0xc7: {  	(tm) =	ssettm $0x7FFFFFFF  }
tec
execute0_lowered:
.L_overlay_start_1:
0x0: {  	(tag) =	ssettag $0x1  }
0x1: {  	s10 =	rddreg [dreg:$0x0]  }
0x2: {  	s1 =	rddreg [dreg:$0x1]  }
0x3: {  	s2 =	rddreg [dreg:$0x2]  }
0x4: {  	s11 =	rddreg [dreg:$0x3]  }
0x5: {  	s4 =	rddreg [dreg:$0x4]  }
0x6: {  	s0 =	rddreg [dreg:$0x5]  }
0x7: {  	s6 =	srdreg.scid;
	s3 =	stileid.u32  }
0x8: {  	s5 =	simm.s32 $0x0;
	s17 =	simm.s32 $0x7A18;
	s18 =	simm.s32 $0x8698  }
0x9: {  	s19 =	simm.s32 $0x9098;
	s20 =	simm.s32 $0xAFD8;
	s21 =	simm.s32 $0x7D0  }
0xa: {  	s22 =	simm.s32 $0x0;
	s12 =	sand.u32 $0x1, s6;
	s13 =	smul.u32 $0xC380, s3  }
0xb: {  	[smem:$0x7FF] =	sst s5;
	p0 =	seq.s32 s3, $0xF;
	s6 =	sadd.s32 $0x600, s10  }
0xc: {  	s7 =	sadd.s32 $0xC3E00, s10;
	s8 =	sadd.s32 $0x800, s10;
	s16 =	sshll.u32 s3, $0x1  }
0xd: {  	s31 =	sshll.u32 s3, $0x6;
	s9 =	smul.u32 $0xC3500, s12;
	_ =	strace $0x80000047  }
0xe: {  	s15 =	ssub.s32 $0x2, s12;
	s12 =	sor.u32 s12, s16;
	s16 =	simm.s32 $0x1  }
0xf: {  	s13 =	simm.s32 @p0 $0xB7180;
	s28 =	sshrl.u32 s15, $0x1;
	s12 =	smul.u32 $0x30D40, s12  }
0x10: {  	s14 =	sadd.s32 s9, s13;
	s9 =	sadd.s32 $0x400, s10;
	s15 =	ssub.s32 s15, s28  }
0x11: {  	s29 =	sshrl.u32 s13, $0x3;
	s30 =	sadd.s32 s13, s4;
	s14 =	sshrl.u32 s14, $0x3  }
0x12: {  	v0 =	vlaneseq.u32;
	s14 =	sadd.s32 s14, s10;
	s10 =	sadd.s32 s11, s29;
	s11 =	sor.u32 $0x1C01, s31  }
0x13: {  	v0 =	vmul.u32 $0x8, v0;
	s13 =	sadd.s32 $0x187400, s14;
	s14 =	smax.u32 s15, $0x1;
	s15 =	sshrl.u32 s30, $0x3  }
.LBB2_1:
0x14: {  	[spmem:s15], [sflag:s11] =	dma.local [hbm:s10], $0x1870  }
0x15: {  	_ =	swait.ge [sflag:s16], $0x1870  }
0x16: {  	[sflag:s16] =	ssyncset.done $0x0  }
0x17: {  	[sflag:s16] =	ssyncadd.s32 $0xFFFFE790  }
0x18: {  	[tilespmem:s17], [sflag:$0x1] =	stream.linear.gather [hbm4b:s6+s5], $0xC80, $0x38;
	[tilespmem:$0xEE58] =	vst v63  }
0x19: {  	_ =	swait.ge [sflag:s16], $0xC80  }
0x1a: {  	[sflag:s16] =	ssyncset.done $0x0  }
0x1b: {  	[sflag:s16] =	ssyncadd.s32 $0xFFFFF380  }
0x1c: {  	[tilespmem:s18], [sflag:$0x1] =	stream.linear.gather [hbm4b:s9+s5], $0xA00, $0x38;
	[tilespmem:$0xEE58] =	vst v63  }
0x1d: {  	_ =	swait.ge [sflag:s16], $0xA00  }
0x1e: {  	[sflag:s16] =	ssyncset.done $0x0  }
0x1f: {  	[sflag:s16] =	ssyncadd.s32 $0xFFFFF600  }
0x20: {  	s23 =	simm.s32 $0x0;
	[bflag:$0x0] =	sbarrier.arrive $0xFFFF  }
.LBB2_2:
0x21: {  	s24 =	smul.u32 $0x7D0, s23;
	_ =	sdelay $0x1  }
0x22: {  	s24 =	sadd.s32 s12, s24  }
0x23: {  	s26 =	sshrl.u32 s24, $0x3  }
0x24: {  	s28 =	simm.s32 $0x0;
	s24 =	sadd.s32 s7, s26  }
0x25: {  	[tilespmem:s19], [sflag:$0x1] =	stream.linear.gather [hbm4b:s24+s28], $0x7D0, $0x38;
	[tilespmem:$0xEE58] =	vst v63  }
0x26: {  	_ =	swait.ge [sflag:s16], $0x7D0  }
0x27: {  	[sflag:s16] =	ssyncset.done $0x0  }
0x28: {  	s25 =	sadd.s32 s8, s26;
	s24 =	simm.s32 $0x9868;
	[sflag:s16] =	ssyncadd.s32 $0xFFFFF830  }
0x29: {  	[tilespmem:s24], [sflag:$0x1] =	stream.linear.gather [hbm4b:s25+s28], $0x7D0, $0x38;
	[tilespmem:$0xEE58] =	vst v63  }
0x2a: {  	_ =	swait.ge [sflag:s16], $0x7D0  }
0x2b: {  	[sflag:s16] =	ssyncset.done $0x0  }
0x2c: {  	s29 =	sadd.s32 s1, s26;
	s25 =	simm.s32 $0xA038;
	[sflag:s16] =	ssyncadd.s32 $0xFFFFF830  }
0x2d: {  	[tilespmem:s25], [sflag:$0x1] =	stream.linear.gather [hbm4b:s29+s28], $0x7D0, $0x38;
	[tilespmem:$0xEE58] =	vst v63  }
0x2e: {  	_ =	swait.ge [sflag:s16], $0x7D0  }
0x2f: {  	[sflag:s16] =	ssyncset.done $0x0  }
0x30: {  	s31 =	sadd.s32 s2, s26;
	s26 =	simm.s32 $0xA808;
	[sflag:s16] =	ssyncadd.s32 $0xFFFFF830  }
0x31: {  	[tilespmem:s26], [sflag:$0x1] =	stream.linear.gather [hbm4b:s31+s28], $0x7D0, $0x38;
	[tilespmem:$0xEE58] =	vst v63  }
0x32: {  	_ =	swait.ge [sflag:s16], $0x7D0  }
0x33: {  	[sflag:s16] =	ssyncset.done $0x0  }
0x34: {  	[sflag:s16] =	ssyncadd.s32 $0xFFFFF830  }
0x35: {  	v1 =	vld [tilespmem:s24+$0x0];
	_ =	sdelay $0x4  }
0x36: {  	v3 =	vld [tilespmem:s26+$0x0];
	v2 =	vshrl.u32 v1, $0x5;
	_ =	sdelay $0x4  }
0x37: {  	v3 =	vmul.u32 $0x5, v3;
	v2 =	vld.idx.msk [tilespmem:v2+s17+$0x0], $0xffff;
	_ =	sdelay $0x3  }
0x38: {  	v4 =	vld [tilespmem:s25+$0x0];
	v1 =	vand.u32 $0x1F, v1  }
0x39: {  	v1 =	vshrl.u32 v2, v1  }
0x3a: {  	v5 =	vmov s28;
	v2 =	vld.idx.msk [tilespmem:v3+s18+$0x0], $0xffff;
	v1 =	vand.u32 $0x1, v1  }
0x3b: {  	v5 =	vshll.u32 v5, $0x3;
	v1 =	vcvt.s32.f32 v1  }
0x3c: {  	v5 =	vor.u32 v0, v5  }
0x3d: {  	v4 =	vmul.f32 v1, v4;
	v1 =	vadd.s32 $0x1, v3;
	_ =	sdelay $0x1  }
0x3e: {  	v2 =	vmul.f32 v4, v2;
	_ =	sdelay $0x1  }
0x3f: {  	[tilespmem:v5+s20+$0x0] =	vst.idx.msk $0xffff, v2  }
0x40: {  	v1 =	vld.idx.msk [tilespmem:v1+s18+$0x0], $0xffff;
	_ =	sdelay $0x1  }
0x41: {  	v2 =	vor.u32 $0x1, v5  }
0x42: {  	v6 =	vadd.s32 $0x2, v3;
	_ =	sdelay $0x1  }
0x43: {  	v1 =	vmul.f32 v1, v4;
	_ =	sdelay $0x1  }
0x44: {  	[tilespmem:v2+s20+$0x0] =	vst.idx.msk $0xffff, v1  }
0x45: {  	v1 =	vld.idx.msk [tilespmem:v6+s18+$0x0], $0xffff;
	_ =	sdelay $0x1  }
0x46: {  	v2 =	vor.u32 $0x2, v5  }
0x47: {  	v63 =	vadd.s32 $0x3, v3;
	_ =	sdelay $0x1  }
0x48: {  	v1 =	vmul.f32 v1, v4;
	_ =	sdelay $0x1  }
0x49: {  	[tilespmem:v2+s20+$0x0] =	vst.idx.msk $0xffff, v1  }
0x4a: {  	v1 =	vld.idx.msk [tilespmem:v63+s18+$0x0], $0xffff;
	_ =	sdelay $0x1  }
0x4b: {  	v2 =	vor.u32 $0x3, v5  }
0x4c: {  	v3 =	vadd.s32 $0x4, v3;
	_ =	sdelay $0x1  }
0x4d: {  	v1 =	vmul.f32 v1, v4;
	_ =	sdelay $0x1  }
0x4e: {  	[tilespmem:v2+s20+$0x0] =	vst.idx.msk $0xffff, v1  }
0x4f: {  	v2 =	vld.idx.msk [tilespmem:v3+s18+$0x0], $0xffff;
	_ =	sdelay $0x1  }
0x50: {  	v1 =	vor.u32 $0x4, v5;
	_ =	sdelay $0x2  }
0x51: {  	s28 =	simm.s32 $0x10;
	v2 =	vmul.f32 v2, v4  }
.LBB2_3:
0x52: {  	_ = 	snop  }
0x53: {  	s24 =	sadd.s32 $0x10, s24;
	s25 =	sadd.s32 $0x10, s25;
	s26 =	sadd.s32 $0x10, s26;
	[tilespmem:v1+s20+$0x0] =	vst.idx.msk $0xffff, v2  }
0x54: {  	p0 =	sne.s32 s28, $0x7C0;
	s29 =	smov.u32 s28;
	s28 =	sadd.s32 $0x10, s28;
	v1 =	vld [tilespmem:s24+$0x0]  }
0x55: {  	_ =	sdelay $0x3  }
0x56: {  	v2 =	vshrl.u32 v1, $0x5;
	v3 =	vld [tilespmem:s26+$0x0];
	_ =	sdelay $0x4  }
0x57: {  	v2 =	vld.idx.msk [tilespmem:v2+s17+$0x0], $0xffff;
	v3 =	vmul.u32 $0x5, v3;
	_ =	sdelay $0x4  }
0x58: {  	v1 =	vand.u32 $0x1F, v1;
	v4 =	vld [tilespmem:s25+$0x0]  }
0x59: {  	v1 =	vshrl.u32 v2, v1;
	v2 =	vld.idx.msk [tilespmem:v3+s18+$0x0], $0xffff  }
0x5a: {  	v5 =	vmov s29;
	v1 =	vand.u32 $0x1, v1  }
0x5b: {  	v5 =	vshll.u32 v5, $0x3;
	v1 =	vcvt.s32.f32 v1  }
0x5c: {  	v5 =	vor.u32 v0, v5  }
0x5d: {  	v4 =	vmul.f32 v1, v4;
	v1 =	vadd.s32 $0x1, v3;
	_ =	sdelay $0x1  }
0x5e: {  	v2 =	vmul.f32 v4, v2;
	_ =	sdelay $0x1  }
0x5f: {  	[tilespmem:v5+s20+$0x0] =	vst.idx.msk $0xffff, v2  }
0x60: {  	v1 =	vld.idx.msk [tilespmem:v1+s18+$0x0], $0xffff;
	_ =	sdelay $0x2  }
0x61: {  	v2 =	vor.u32 $0x1, v5  }
0x62: {  	v6 =	vadd.s32 $0x2, v3;
	_ =	sdelay $0x1  }
0x63: {  	v1 =	vmul.f32 v1, v4;
	_ =	sdelay $0x1  }
0x64: {  	[tilespmem:v2+s20+$0x0] =	vst.idx.msk $0xffff, v1  }
0x65: {  	v1 =	vld.idx.msk [tilespmem:v6+s18+$0x0], $0xffff;
	_ =	sdelay $0x2  }
0x66: {  	v2 =	vor.u32 $0x2, v5  }
0x67: {  	v6 =	vadd.s32 $0x3, v3;
	_ =	sdelay $0x1  }
0x68: {  	v1 =	vmul.f32 v1, v4;
	_ =	sdelay $0x1  }
0x69: {  	[tilespmem:v2+s20+$0x0] =	vst.idx.msk $0xffff, v1  }
0x6a: {  	v1 =	vld.idx.msk [tilespmem:v6+s18+$0x0], $0xffff;
	_ =	sdelay $0x2  }
0x6b: {  	v2 =	vor.u32 $0x3, v5  }
0x6c: {  	v3 =	vadd.s32 $0x4, v3;
	_ =	sdelay $0x1  }
0x6d: {  	v1 =	vmul.f32 v1, v4;
	_ =	sdelay $0x1  }
0x6e: {  	[tilespmem:v2+s20+$0x0] =	vst.idx.msk $0xffff, v1  }
0x6f: {  	v2 =	vld.idx.msk [tilespmem:v3+s18+$0x0], $0xffff;
	_ =	sdelay $0x1  }
.Ltmp0:
0x70: {  	(pc) =	sbr.rel @p0 .LBB2_3-.Ltmp0, $2  }
0x71: {  	v1 =	vor.u32 $0x4, v5;
	_ =	sdelay $0x2  }
0x72: {  	v2 =	vmul.f32 v2, v4  }
0x73: {  	_ =	sdelay $0x1  }
0x74: {  	s23 =	sadd.s32 $0x1, s23  }
0x75: {  	p0 =	sne.s32 s23, $0x64  }
.Ltmp1:
0x76: {  	[tilespmem:v1+s20+$0x0] =	vst.idx.msk $0xffff, v2;
	(pc) =	sbr.rel @p0 .LBB2_2-.Ltmp1, $4  }
0x77: {  	[spmem:s4] =	stream.indirect.scatter.add.f32 [tilespmem:s20], [sflag:$0x1], $0x5, s19, s21, $0xb8;
	[tilespmem:$0xEE58] =	vst v63  }
0x78: {  	_ =	swait.ge [sflag:s16], $0x2710  }
0x79: {  	[sflag:s16] =	ssyncset.done $0x0  }
0x7a: {  	[sflag:s16] =	ssyncadd.s32 $0xFFFFD8F0  }
0x7b: {  	s22 =	sadd.s32 $0x1, s22  }
0x7c: {  	p0 =	sne.s32 s22, s14  }
.Ltmp2:
0x7d: {  	[bflag:$0x0] =	sbarrier.arrive $0xFFFF;
	(pc) =	sbr.rel @p0 .LBB2_1-.Ltmp2, $4  }
0x7e: {  	[hbm:s13], [sflag:s11] =	dma.local [spmem:s15], $0x1870  }
0x7f: {  	_ =	swait.ge [sflag:s16], $0x1870  }
0x80: {  	[sflag:s16] =	ssyncset.done $0x0  }
0x81: {  	[sflag:s16] =	ssyncadd.s32 $0xFFFFE790  }
0x82: {  	_ =	sfence.sel $0x180000  }
0x83: {  	[bflag:$0x0] =	sbarrier.arrive $0xFFFF  }
0x84: {  	p0 =	sne.s32 s3, $0x0;
	_ =	strace $0x90000047  }
0x85: {  	s0 =	sadd.s32 @!p0 $0x100000, s0;
	[bflag:$0x2] =	sbarrier.arrive $0xFFFF  }
0x86: {  	[sflag:s0] =	ssyncadd.tile.s32 @!p0 $0x1;
	_ =	shalt  }
.Lfunc_end2:
_tile_overlayer_lowered:
.L_overlay_start_2:
0x87: {  	(tag) =	ssettag $0x2  }
0x88: {  	s0 =	rddreg [dreg:$0x0];
	s2 =	stileid.u32  }
0x89: {  	s1 =	rddreg [dreg:$0x1];
	p0 =	sne.s32 s2, $0x0  }
0x8a: {  	s3 =	rddreg [dreg:$0x2];
	[bflag:$0x3] =	sbarrier.arrive $0xFFFF;
	s2 =	simm.s32 @!p0 $0x1C01  }
0x8b: {  	[timem:s3], [sflag:s2] =	dma.local @!p0 [hbm:s0], s1  }
0x8c: {  	s0 =	simm.s32 @!p0 $0x1  }
0x8d: {  	_ =	swait.ge @!p0 [sflag:s0], s1  }
0x8e: {  	s1 =	ssub.s32 @!p0 $0x0, s1;
	[sflag:s0] =	ssyncset.done @!p0 $0x0  }
0x8f: {  	[sflag:s0] =	ssyncadd.s32 @!p0 s1  }
0x90: {  	[bflag:$0x3] =	sbarrier.arrive $0xFFFF  }
0x91: {  	_ =	shalt  }

</sc_bundles>
